<compile_context>
chip_gen: v7x
topology: tpu7x:2x2x1
jax: 0.10.2.dev20260603
libtpu: 0.0.44.dev20260713+nightly
codegen_flags: <defaults>
</compile_context>

<pallas_src>
import functools

import jax
import jax.numpy as jnp
from jax import lax
from jax.experimental import pallas as pl
from jax.experimental.pallas import tpu as pltpu
from jax.experimental.pallas import tpu_sc as plsc

N = 10000
C = 128
E = 320000

NC = 2
NS = 16
NW = NC * NS
EW = E // NW
K = 80
KE = 96
EWP = 10160
E_PAD = EWP * NW
NCHUNK = EWP // K
RPT = N // NS
L = 16

_mesh = functools.partial(
    plsc.VectorSubcoreMesh, core_axis_name="c", subcore_axis_name="s")
_SC_PARAMS = pltpu.CompilerParams(needs_layout_passes=False,
                                  use_tc_tiling_on_sc=False)


def _deg_body(col_hbm, ew_hbm, out_hbm, col_v, ew_v, deg_v):
    c = lax.axis_index("c")
    s = lax.axis_index("s")
    wid = c * NS + s
    base = wid * EW
    pltpu.sync_copy(col_hbm.at[pl.ds(base, EW)], col_v)
    pltpu.sync_copy(ew_hbm.at[pl.ds(base, EW)], ew_v)

    def zero_body(i, carry):
        deg_v[pl.ds(i * L, L)] = jnp.zeros((L,), jnp.float32)
        return carry

    lax.fori_loop(0, N // L, zero_body, 0)

    def acc_body(i, carry):
        idx = col_v[pl.ds(i * L, L)]
        w = ew_v[pl.ds(i * L, L)]
        plsc.addupdate_scatter(deg_v, [idx], w)
        return carry

    lax.fori_loop(0, EW // L, acc_body, 0)
    pltpu.sync_copy(deg_v, out_hbm.at[wid])


@jax.jit
def _deg_call(col, ew):
    return pl.kernel(
        _deg_body,
        out_type=jax.ShapeDtypeStruct((NW, N), jnp.float32),
        mesh=_mesh(),
        compiler_params=_SC_PARAMS,
        scratch_types=[
            pltpu.VMEM((EW,), jnp.int32),
            pltpu.VMEM((EW,), jnp.float32),
            pltpu.VMEM((N,), jnp.float32),
        ],
    )(col, ew)


def _dense1_body(x_ref, iw_ref, wih_ref, whh_ref, bih_ref, bhh_ref, dp_ref,
                 h2_ref, dinv_ref):
    iw = iw_ref[...]
    gi = lax.dot_general(iw, wih_ref[...], (((1,), (1,)), ((), ())),
                         preferred_element_type=jnp.float32) + bih_ref[...]
    gh = lax.dot_general(iw, whh_ref[...], (((1,), (1,)), ((), ())),
                         preferred_element_type=jnp.float32) + bhh_ref[...]
    i_r, i_z, i_n = gi[:, :C], gi[:, C:2 * C], gi[:, 2 * C:]
    h_r, h_z, h_n = gh[:, :C], gh[:, C:2 * C], gh[:, 2 * C:]
    r = jax.nn.sigmoid(i_r + h_r)
    z = jax.nn.sigmoid(i_z + h_z)
    n = jnp.tanh(i_n + r * h_n)
    W = (1.0 - z) * n + z * iw

    deg = 1.0 + jnp.sum(dp_ref[...], axis=0)
    dinv = lax.rsqrt(deg)
    dinv2 = dinv[:, None]
    h2_ref[...] = dinv2 * jnp.dot(x_ref[...], W,
                                  preferred_element_type=jnp.float32)
    dinv_ref[...] = dinv2


@jax.jit
def _dense1_call(x, iw, wih, whh, bih, bhh, dp):
    return pl.pallas_call(
        _dense1_body,
        out_shape=(
            jax.ShapeDtypeStruct((N, C), jnp.float32),
            jax.ShapeDtypeStruct((N, 1), jnp.float32),
        ),
    )(x, iw, wih, whh, bih, bhh, dp)


NB = 3
MAIN = (NCHUNK - 1) // NB
TAIL = NCHUNK - 1
assert NB * MAIN == NCHUNK - 1


def _rows_scaled(buf, wv, r0):
    for r2 in range(L):
        w = wv[r2]
        row = r0 + r2
        for jj in range(C // L):
            sl = pl.ds(jj * L, L)
            buf[row, sl] = buf[row, sl] * w


def _scale_chunk(buf, ew_v, g):

    def grp32(q, carry):
        ewv = ew_v[g, pl.ds(q * 2 * L, 2 * L)]
        a, b = plsc.unpack(ewv, format=plsc.PackFormat.INTERLEAVED)
        _rows_scaled(buf, a, q * 2 * L)
        _rows_scaled(buf, b, q * 2 * L + L)
        return carry

    lax.fori_loop(0, K // (2 * L), grp32, 0)
    if K % (2 * L):
        ewv = ew_v[g, pl.ds(K - L, 2 * L)]
        a, _ = plsc.unpack(ewv, format=plsc.PackFormat.INTERLEAVED)
        _rows_scaled(buf, a, K - L)


def _edge_body(packed_hbm, ew_hbm, h2_hbm, zeros_hbm, out_hbm,
               packed_v, ew_v, bufs, rowr, colr, sems_g, sems_s, acc_sh):
    c = lax.axis_index("c")
    s = lax.axis_index("s")
    wid = c * NS + s

    pltpu.sync_copy(zeros_hbm.at[pl.ds(s * RPT, RPT)],
                    acc_sh.at[pl.ds(s * RPT, RPT)])
    pltpu.sync_copy(packed_hbm.at[wid], packed_v)
    pltpu.sync_copy(ew_hbm.at[wid], ew_v)
    plsc.subcore_barrier()

    def gather(g, j):
        for q in range(K // L):
            sl = pl.ds(q * L, L)
            rowr[j][sl] = packed_v[g, sl] & 0x3FFF
        pltpu.async_copy(h2_hbm.at[rowr[j]], bufs[j], sems_g[j])

    def scatter(g, j):
        for q in range(K // L):
            sl = pl.ds(q * L, L)
            colr[j][sl] = lax.shift_right_logical(packed_v[g, sl], 14)
        pltpu.async_copy(bufs[j], acc_sh.at[colr[j]], sems_s[j], add=True)

    def wait_gather(j):
        pltpu.make_async_copy(h2_hbm.at[rowr[j]], bufs[j], sems_g[j]).wait()

    def wait_scatter(j):
        pltpu.make_async_copy(bufs[j], acc_sh.at[colr[j]], sems_s[j]).wait()

    for j in range(NB - 1):
        gather(j, j)

    def ring_body(i, carry):
        for j in range(NB):
            g = i * NB + j
            jp = (j + NB - 1) % NB
            if j == 0:
                @pl.when(i > 0)
                def _():
                    wait_scatter(jp)

                gather(g + NB - 1, jp)
            else:
                @pl.when(i < MAIN - 1)
                def _():
                    wait_scatter(jp)
                    gather(g + NB - 1, jp)

            wait_gather(j)
            _scale_chunk(bufs[j], ew_v, g)
            scatter(g, j)
        return carry

    lax.fori_loop(0, MAIN, ring_body, 0)

    wait_scatter(0)
    gather(TAIL, 0)
    wait_gather(0)
    _scale_chunk(bufs[0], ew_v, TAIL)
    for j in range(1, NB):
        wait_scatter(j)
    scatter(TAIL, 0)
    wait_scatter(0)

    plsc.subcore_barrier()
    pltpu.sync_copy(acc_sh.at[pl.ds(s * RPT, RPT)],
                    out_hbm.at[c, pl.ds(s * RPT, RPT)])


@jax.jit
def _edge_call(packed3, ew3, h2, zeros):
    return pl.kernel(
        _edge_body,
        out_type=jax.ShapeDtypeStruct((NC, N, C), jnp.float32),
        mesh=_mesh(),
        compiler_params=_SC_PARAMS,
        scratch_types=[
            pltpu.VMEM((NCHUNK, K), jnp.int32),
            pltpu.VMEM((NCHUNK, KE), jnp.bfloat16),
            [pltpu.VMEM((K, C), jnp.float32)] * NB,
            [pltpu.VMEM((K,), jnp.int32)] * NB,
            [pltpu.VMEM((K,), jnp.int32)] * NB,
            [pltpu.SemaphoreType.DMA] * NB,
            [pltpu.SemaphoreType.DMA] * NB,
            pltpu.VMEM_SHARED((N, C), jnp.float32),
        ],
    )(packed3, ew3, h2, zeros)


def _dense2_body(acc_ref, h2_ref, dinv_ref, linw_ref, linb_ref, out_ref):
    pre = dinv_ref[...] * (acc_ref[0] + acc_ref[1] + h2_ref[...])
    pre = jnp.maximum(pre, 0.0)
    out_ref[...] = lax.dot_general(pre, linw_ref[...], (((1,), (1,)), ((), ())),
                                   preferred_element_type=jnp.float32
                                   ) + linb_ref[...]


@jax.jit
def _dense2_call(acc, h2, dinv2, lin_W, lin_b):
    return pl.pallas_call(
        _dense2_body,
        out_shape=jax.ShapeDtypeStruct((N, C), jnp.float32),
    )(acc, h2, dinv2, lin_W, lin_b)


def kernel(x, edge_index, edge_weight, init_weight, W_ih, W_hh, b_ih, b_hh,
           lin_W, lin_b):
    ei = edge_index.astype(jnp.int32)
    row = ei[0]
    col = ei[1]
    dp = _deg_call(col, edge_weight)
    h2, dinv2 = _dense1_call(x, init_weight, W_ih, W_hh, b_ih, b_hh, dp)
    zeros = jnp.zeros((N, C), jnp.float32)
    pad = E_PAD - E
    pad_idx = (jnp.arange(pad, dtype=jnp.int32) * 16) % N
    row_p = jnp.concatenate([row, pad_idx])
    col_p = jnp.concatenate([col, pad_idx])
    packed3 = (row_p | (col_p << 14)).reshape(NW, NCHUNK, K)
    ew_p = jnp.concatenate(
        [edge_weight, jnp.zeros((pad,), jnp.float32)]
    ).astype(jnp.bfloat16).reshape(NW, NCHUNK, K)
    ew_pk = jnp.concatenate(
        [ew_p, jnp.zeros((NW, NCHUNK, KE - K), jnp.bfloat16)], axis=-1)
    ew3 = ew_pk.reshape(NW, NCHUNK, KE // 32, 2, L).transpose(
        0, 1, 2, 4, 3).reshape(NW, NCHUNK, KE)
    acc = _edge_call(packed3, ew3, h2, zeros)
    return _dense2_call(acc, h2, dinv2, lin_W, lin_b)

# --- scband reference (transcript-rebuilt; emitter-appended) ---
"""Pipeline reference for scband-recurrent-gcn-3770981286463 (READ-ONLY COPY).

The authoritative reference and input builder live on the scoring server;
editing this copy changes nothing except your own understanding.
"""

import jax, jax.numpy as jnp
import numpy as np

C = 128
HIDDEN = 128
N_NODES = 10000
N_EDGES = 320000


def _gru_step(x_in, h, W_ih, W_hh, b_ih, b_hh):
    # PyTorch GRU cell math (num_layers=1, seq_len=1)
    gi = x_in @ W_ih.T + b_ih
    gh = h @ W_hh.T + b_hh
    i_r, i_z, i_n = jnp.split(gi, 3, axis=-1)
    h_r, h_z, h_n = jnp.split(gh, 3, axis=-1)
    r = jax.nn.sigmoid(i_r + h_r)
    z = jax.nn.sigmoid(i_z + h_z)
    n = jnp.tanh(i_n + r * h_n)
    return (1.0 - z) * n + z * h


def setup_inputs(seed: int = 0) -> dict:
    key = jax.random.key(seed)
    ks = jax.random.split(key, 10)
    x = jax.random.normal(ks[0], (N_NODES, C), dtype=jnp.float32)
    edge_index = jax.random.randint(ks[1], (2, N_EDGES), 0, N_NODES, dtype=jnp.int64)
    edge_weight = jax.random.uniform(ks[2], (N_EDGES,), dtype=jnp.float32)
    stdv = 1.0 / np.sqrt(C)
    init_weight = jax.random.uniform(ks[3], (C, C), minval=-stdv, maxval=stdv, dtype=jnp.float32)
    gstd = 1.0 / np.sqrt(C)
    W_ih = jax.random.uniform(ks[4], (3 * C, C), minval=-gstd, maxval=gstd, dtype=jnp.float32)
    W_hh = jax.random.uniform(ks[5], (3 * C, C), minval=-gstd, maxval=gstd, dtype=jnp.float32)
    b_ih = jax.random.uniform(ks[6], (3 * C,), minval=-gstd, maxval=gstd, dtype=jnp.float32)
    b_hh = jax.random.uniform(ks[7], (3 * C,), minval=-gstd, maxval=gstd, dtype=jnp.float32)
    lstd = 1.0 / np.sqrt(C)
    lin_W = jax.random.uniform(ks[8], (HIDDEN, C), minval=-lstd, maxval=lstd, dtype=jnp.float32)
    lin_b = jax.random.uniform(ks[9], (HIDDEN,), minval=-lstd, maxval=lstd, dtype=jnp.float32)
    return {"x": x, "edge_index": edge_index, "edge_weight": edge_weight,
            "init_weight": init_weight, "W_ih": W_ih, "W_hh": W_hh,
            "b_ih": b_ih, "b_hh": b_hh, "lin_W": lin_W, "lin_b": lin_b}


def reference(x, edge_index, edge_weight, init_weight, W_ih, W_hh, b_ih, b_hh, lin_W, lin_b):
    # EvolveGCNO: evolve the GCN weight with a GRU (input = hidden = weight matrix)
    W = _gru_step(init_weight, init_weight, W_ih, W_hh, b_ih, b_hh)  # [C, C]

    # GCNConv with fixed (evolved) weight W, normalize=True, add_self_loops=True, no bias
    N = x.shape[0]
    row = edge_index[0]
    col = edge_index[1]
    loop = jnp.arange(N, dtype=edge_index.dtype)
    row = jnp.concatenate([row, loop])
    col = jnp.concatenate([col, loop])
    ew = jnp.concatenate([edge_weight, jnp.ones((N,), dtype=edge_weight.dtype)])
    deg = jnp.zeros((N,), dtype=ew.dtype).at[col].add(ew)
    # self-loops guarantee deg >= 1, so no inf masking needed
    deg_inv_sqrt = deg ** -0.5
    norm = deg_inv_sqrt[row] * ew * deg_inv_sqrt[col]

    h = x @ W  # linear transform with evolved weight
    msg = norm[:, None] * h[row]           # gather from source nodes
    out = jnp.zeros_like(h).at[col].add(msg)  # scatter-add into target nodes

    out = jax.nn.relu(out)
    return out @ lin_W.T + lin_b

if __name__ == "__main__":
    import jax
    _d = setup_inputs()
    print(jax.jit(kernel)(*tuple(_d.values())))

</pallas_src>

<mosaic_0001>
#map = affine_map<(d0, d1) -> (0)>
#map1 = affine_map<(d0, d1) -> (0, 0)>
module attributes {stable_mosaic.version = 14 : i64} {
  func.func @_deg_body(%arg0: i32, %arg1: i32, %arg2: memref<320000xi32, #tpu.memory_space<hbm>>, %arg3: memref<320000xf32, #tpu.memory_space<hbm>>, %arg4: memref<32x10000xf32, #tpu.memory_space<hbm>>, %arg5: memref<10000xi32, #tpu.memory_space<vmem>>, %arg6: memref<10000xf32, #tpu.memory_space<vmem>>, %arg7: memref<10000xf32, #tpu.memory_space<vmem>>) attributes {dimension_semantics = [#tpu.dimension_semantics<core_parallel>, #tpu.dimension_semantics<subcore_parallel>], iteration_bounds = array<i64: 2, 16>, scalar_prefetch = 0 : i64, scratch_operands = 3 : i64, tpu.core_type = #tpu.core_type<sc_vector_subcore>, window_params = [{transform_indices = #map}, {transform_indices = #map}, {transform_indices = #map1}]} {
    %mul3A = arith.constant 16 : i32
    %mul3A_0 = arith.muli %arg0, %mul3A : i32
    %add3A = arith.addi %mul3A_0, %arg1 : i32
    %mul3A_1 = arith.constant 10000 : i32
    %mul3A_2 = arith.muli %add3A, %mul3A_1 : i32
    "tpu.region"() ({
      %run_scoped3A = tpu.sem_alloc : memref<!tpu.dma_semaphore, #tpu.memory_space<semaphore_mem>>
      %dma_start3A = tpu.memref_slice %arg2[%mul3A_2] : memref<320000xi32, #tpu.memory_space<hbm>> -> memref<10000xi32, #tpu.memory_space<hbm>>
      %dma_start3A_14 = tpu.memref_slice %arg2[%mul3A_2] : memref<320000xi32, #tpu.memory_space<hbm>> -> memref<10000xi32, #tpu.memory_space<hbm>>
      tpu.enqueue_dma source(%dma_start3A_14 : memref<10000xi32, #tpu.memory_space<hbm>>) target(%arg5 : memref<10000xi32, #tpu.memory_space<vmem>>) target_semaphore(%run_scoped3A : memref<!tpu.dma_semaphore, #tpu.memory_space<semaphore_mem>>)
      %dma_wait3A = tpu.memref_slice %arg2[%mul3A_2] : memref<320000xi32, #tpu.memory_space<hbm>> -> memref<10000xi32, #tpu.memory_space<hbm>>
      %dma_wait3A_15 = tpu.memref_slice %arg2[%mul3A_2] : memref<320000xi32, #tpu.memory_space<hbm>> -> memref<10000xi32, #tpu.memory_space<hbm>>
      tpu.wait_dma2 semaphore(%run_scoped3A : memref<!tpu.dma_semaphore, #tpu.memory_space<semaphore_mem>>) src(%dma_wait3A_15 : memref<10000xi32, #tpu.memory_space<hbm>>) dst(%arg5 : memref<10000xi32, #tpu.memory_space<vmem>>)
      tpu.yield
    }) : () -> ()
    "tpu.region"() ({
      %run_scoped3A = tpu.sem_alloc : memref<!tpu.dma_semaphore, #tpu.memory_space<semaphore_mem>>
      %dma_start3A = tpu.memref_slice %arg3[%mul3A_2] : memref<320000xf32, #tpu.memory_space<hbm>> -> memref<10000xf32, #tpu.memory_space<hbm>>
      %dma_start3A_14 = tpu.memref_slice %arg3[%mul3A_2] : memref<320000xf32, #tpu.memory_space<hbm>> -> memref<10000xf32, #tpu.memory_space<hbm>>
      tpu.enqueue_dma source(%dma_start3A_14 : memref<10000xf32, #tpu.memory_space<hbm>>) target(%arg6 : memref<10000xf32, #tpu.memory_space<vmem>>) target_semaphore(%run_scoped3A : memref<!tpu.dma_semaphore, #tpu.memory_space<semaphore_mem>>)
      %dma_wait3A = tpu.memref_slice %arg3[%mul3A_2] : memref<320000xf32, #tpu.memory_space<hbm>> -> memref<10000xf32, #tpu.memory_space<hbm>>
      %dma_wait3A_15 = tpu.memref_slice %arg3[%mul3A_2] : memref<320000xf32, #tpu.memory_space<hbm>> -> memref<10000xf32, #tpu.memory_space<hbm>>
      tpu.wait_dma2 semaphore(%run_scoped3A : memref<!tpu.dma_semaphore, #tpu.memory_space<semaphore_mem>>) src(%dma_wait3A_15 : memref<10000xf32, #tpu.memory_space<hbm>>) dst(%arg6 : memref<10000xf32, #tpu.memory_space<vmem>>)
      tpu.yield
    }) : () -> ()
    %scan3A = arith.constant 0 : i32
    %scan3A_3 = arith.constant 0 : i32
    %scan3A_4 = arith.constant 625 : i32
    %scan3A_5 = arith.addi %scan3A_3, %scan3A_4 : i32
    %scan3A_6 = arith.constant 1 : i32
    scf.for %scan3A_14 = %scan3A_3 to %scan3A_5 step %scan3A_6  : i32 {
      %broadcast_in_dim3A = arith.constant 0.000000e+00 : f32
      %broadcast_in_dim3A_15 = vector.broadcast %broadcast_in_dim3A : f32 to vector<16xf32>
      %mul3A_16 = arith.constant 16 : i32
      %mul3A_17 = arith.muli %scan3A_14, %mul3A_16 : i32
      %swap3A = arith.index_cast %mul3A_17 : i32 to index
      %swap3A_18 = tpu.vector_load %arg7[%swap3A] {strides = array<i32>} : memref<10000xf32, #tpu.memory_space<vmem>>, vector<16xf32>,
      tpu.vector_store %arg7[%swap3A], %broadcast_in_dim3A_15 {strides = array<i32>} : memref<10000xf32, #tpu.memory_space<vmem>>, vector<16xf32>,
    }
    %scan3A_7 = arith.constant 625 : i32
    %scan3A_8 = arith.constant 0 : i32
    %scan3A_9 = arith.constant 0 : i32
    %scan3A_10 = arith.constant 625 : i32
    %scan3A_11 = arith.addi %scan3A_9, %scan3A_10 : i32
    %scan3A_12 = arith.constant 1 : i32
    scf.for %scan3A_14 = %scan3A_9 to %scan3A_11 step %scan3A_12  : i32 {
      %mul3A_15 = arith.constant 16 : i32
      %mul3A_16 = arith.muli %scan3A_14, %mul3A_15 : i32
      %get3A = arith.index_cast %mul3A_16 : i32 to index
      %get3A_17 = tpu.vector_load %arg5[%get3A] {strides = array<i32>} : memref<10000xi32, #tpu.memory_space<vmem>>, vector<16xi32>,
      %mul3A_18 = arith.constant 16 : i32
      %mul3A_19 = arith.muli %scan3A_14, %mul3A_18 : i32
      %get3A_20 = arith.index_cast %mul3A_19 : i32 to index
      %get3A_21 = tpu.vector_load %arg6[%get3A_20] {strides = array<i32>} : memref<10000xf32, #tpu.memory_space<vmem>>, vector<16xf32>,
      tpu.vector_store_idx %arg7[%get3A_17], %get3A_21 {add = true} : memref<10000xf32, #tpu.memory_space<vmem>>[vector<16xi32>], vector<16xf32>,
    }
    %scan3A_13 = arith.constant 625 : i32
    "tpu.region"() ({
      %run_scoped3A = tpu.sem_alloc : memref<!tpu.dma_semaphore, #tpu.memory_space<semaphore_mem>>
      %dma_start3A = arith.constant 0 : i32
      %dma_start3A_14 = tpu.memref_slice %arg4[%add3A, %dma_start3A] : memref<32x10000xf32, #tpu.memory_space<hbm>> -> memref<1x10000xf32, #tpu.memory_space<hbm>>
      %dma_start3A_15 = tpu.memref_squeeze %dma_start3A_14 : memref<1x10000xf32, #tpu.memory_space<hbm>> -> memref<10000xf32, #tpu.memory_space<hbm>>
      %dma_start3A_16 = arith.constant 0 : i32
      %dma_start3A_17 = tpu.memref_slice %arg4[%add3A, %dma_start3A_16] : memref<32x10000xf32, #tpu.memory_space<hbm>> -> memref<1x10000xf32, #tpu.memory_space<hbm>>
      %dma_start3A_18 = tpu.memref_squeeze %dma_start3A_17 : memref<1x10000xf32, #tpu.memory_space<hbm>> -> memref<10000xf32, #tpu.memory_space<hbm>>
      tpu.enqueue_dma source(%arg7 : memref<10000xf32, #tpu.memory_space<vmem>>) target(%dma_start3A_18 : memref<10000xf32, #tpu.memory_space<hbm>>) target_semaphore(%run_scoped3A : memref<!tpu.dma_semaphore, #tpu.memory_space<semaphore_mem>>)
      %dma_wait3A = arith.constant 0 : i32
      %dma_wait3A_19 = tpu.memref_slice %arg4[%add3A, %dma_wait3A] : memref<32x10000xf32, #tpu.memory_space<hbm>> -> memref<1x10000xf32, #tpu.memory_space<hbm>>
      %dma_wait3A_20 = tpu.memref_squeeze %dma_wait3A_19 : memref<1x10000xf32, #tpu.memory_space<hbm>> -> memref<10000xf32, #tpu.memory_space<hbm>>
      %dma_wait3A_21 = arith.constant 0 : i32
      %dma_wait3A_22 = tpu.memref_slice %arg4[%add3A, %dma_wait3A_21] : memref<32x10000xf32, #tpu.memory_space<hbm>> -> memref<1x10000xf32, #tpu.memory_space<hbm>>
      %dma_wait3A_23 = tpu.memref_squeeze %dma_wait3A_22 : memref<1x10000xf32, #tpu.memory_space<hbm>> -> memref<10000xf32, #tpu.memory_space<hbm>>
      tpu.wait_dma2 semaphore(%run_scoped3A : memref<!tpu.dma_semaphore, #tpu.memory_space<semaphore_mem>>) src(%arg7 : memref<10000xf32, #tpu.memory_space<vmem>>) dst(%dma_wait3A_23 : memref<10000xf32, #tpu.memory_space<hbm>>)
      tpu.yield
    }) : () -> ()
    return
  }
}

</mosaic_0001>

<sc_bundles>
// kernel: _deg_call.3.cloned.1.call-start
scs
__scs_entry_jumppad:
0x0: {  	(pc) =	sbr.rel $0x88, $3  }
0x1: {  	(tag) =	ssettag $0x0;
	lr =	simm.s32 $0x1  }
0x2: {  	[smem:$0x3F9F] =	sst lr;
	_ =	strace $0xD0000000  }
0x3: {  	_ = 	snop  }
0x4: {  	_ = 	snop  }
0x5: {  	_ = 	snop  }
0x6: {  	_ = 	snop  }
0x7: {  	_ = 	snop  }
__scs_overlays_trampoline_lowered:
0x8: {  	[smem:$0x3FAE] =	sst s0  }
0x9: {  	[smem:$0x3FAF] =	sst s1  }
0xa: {  	[smem:$0x3FB0] =	sst s2  }
0xb: {  	[smem:$0x3FB1] =	sst s3  }
0xc: {  	[smem:$0x3FB2] =	sst s4  }
0xd: {  	[smem:$0x3FB3] =	sst s5  }
0xe: {  	[smem:$0x3FB4] =	sst s6  }
0xf: {  	[smem:$0x3FB5] =	sst s7  }
0x10: {  	[smem:$0x3FB6] =	sst s8  }
0x11: {  	[smem:$0x3FB7] =	sst s9;
	s0 =	simm.s32 @!p0 $0x0  }
0x12: {  	s1 =	sld [smem:$0x3F9D];
	s0 =	simm.s32 @p0 $0x1  }
0x13: {  	[smem:$0x3FB8] =	sst s0;
	s0 =	simm.s32 @!p1 $0x0  }
0x14: {  	s2 =	sld [smem:$0x3F9C];
	s0 =	simm.s32 @p1 $0x1  }
0x15: {  	[smem:$0x3FB9] =	sst s0;
	s0 =	simm.s32 @!p2 $0x0  }
0x16: {  	s3 =	sld [smem:$0x3FDB];
	s0 =	simm.s32 @p2 $0x1  }
0x17: {  	s4 =	simm.s32 $0x1BF5;
	[smem:$0x3FBB] =	sst s0  }
0x18: {  	s0 =	sld [smem:$0x3F9E];
	_ =	swait.ge [sflag:s4], $0x0  }
0x19: {  	s7 =	sld [smem:$0x3F9F]  }
0x1a: {  	s8 =	sadd.s32 $0xFFFFE003, lr  }
0x1b: {  	s9 =	sadd.s32 $0xFFFFFEF7, lr;
	s5 =	simm.s32 $0xFFFFFFFF;
	p2 =	slt.u32 s8, $0xFFFFF086  }
0x1c: {  	p1 =	slt.u32 s9, $0xF7A;
	s5 =	simm.s32 @!p2 $0x0  }
0x1d: {  	s5 =	simm.s32 @p1 $0x1;
	p0 =	seq.s32 s7, s2  }
0x1e: {  	s7 =	smul.u32 @!p0 $0xF7A, s2;
	p2 =	seq.s32 @!p0 s5, $0x0  }
0x1f: {  	s9 =	smul.u32 $0xF7A, s1;
	s8 =	simm.s32 @!p0 $0x1BF5;
	p2 =	por !p2, p0  }
0x20: {  	[sflag:s8] =	ssyncset.s32 @!p0 $0xFFFFF086;
	s6 =	sadd.s32 @!p0 s3, s7;
	s7 =	simm.s32 @!p0 $0x108  }
0x21: {  	s3 =	sadd.s32 s3, s9;
	s6 =	sadd.s32 @!p0 $0x88, s6;
	s7 =	simm.s32 @p2 $0x1082  }
0x22: {  	[simem:s7], [sflag:s8] =	dma.local @!p0 [hbm:s6], $0xF7A  }
0x23: {  	s9 =	sor.u32 $0xD0000000, s2;
	s6 =	simm.s32 $0x108;
	_ =	swait.ge @!p0 [sflag:s8], $0x0  }
0x24: {  	s3 =	sadd.s32 $0x88, s3;
	s6 =	simm.s32 @!p1 $0x1082;
	[sflag:s4] =	ssyncset.s32 $0xFFFFF086  }
0x25: {  	[simem:s6], [sflag:s4] =	dma.local [hbm:s3], $0xF7A  }
0x26: {  	[smem:$0x3F9F] =	sst s1;
	(tag) =	ssettag s2;
	_ =	strace s9  }
0x27: {  	s1 =	sld [smem:$0x3FAF]  }
0x28: {  	s2 =	sld [smem:$0x3FB0]  }
0x29: {  	s4 =	sld [smem:$0x3FB2]  }
0x2a: {  	p0 =	seq.s32 s5, $0x0;
	s5 =	sld [smem:$0x3FB3]  }
0x2b: {  	s6 =	sld [smem:$0x3FB4]  }
0x2c: {  	s7 =	sld [smem:$0x3FB5]  }
0x2d: {  	s3 =	simm.s32 $0x108;
	s8 =	sld [smem:$0x3FB6]  }
0x2e: {  	s3 =	simm.s32 @!p0 $0x1082;
	s9 =	sld [smem:$0x3FB7]  }
0x2f: {  	lr =	sadd.s32 s0, s3;
	s0 =	sld [smem:$0x3FAE]  }
0x30: {  	s3 =	sld [smem:$0x3FB1]  }
0x31: {  	[smem:$0x3FBA] =	sst s10  }
0x32: {  	s10 =	sld [smem:$0x3FB8];
	_ =	sdelay $0x3  }
0x33: {  	p0 =	seq.s32 s10, $0x1;
	s10 =	sld [smem:$0x3FBA];
	_ =	sdelay $0x3  }
0x34: {  	[smem:$0x3FBA] =	sst s10  }
0x35: {  	s10 =	sld [smem:$0x3FB9];
	_ =	sdelay $0x3  }
0x36: {  	p1 =	seq.s32 s10, $0x1;
	s10 =	sld [smem:$0x3FBA];
	_ =	sdelay $0x3  }
0x37: {  	[smem:$0x3FBA] =	sst s10  }
0x38: {  	s10 =	sld [smem:$0x3FBB]  }
0x39: {  	_ = 	snop;
	(pc) =	sbr.ind lr, $3  }
0x3a: {  	_ = 	snop  }
0x3b: {  	_ = 	snop  }
0x3c: {  	p2 =	seq.s32 s10, $0x1;
	s10 =	sld [smem:$0x3FBA]  }
0x3d: {  	_ =	shalt  }
0x3e: {  	_ =	shalt  }
0x3f: {  	_ =	shalt  }
0x40: {  	_ =	shalt  }
0x41: {  	_ =	shalt  }
0x42: {  	_ =	shalt  }
0x43: {  	_ =	shalt  }
0x44: {  	_ =	shalt  }
0x45: {  	_ =	shalt  }
0x46: {  	_ =	shalt  }
0x47: {  	_ =	shalt  }
0x48: {  	_ =	shalt  }
0x49: {  	_ =	shalt  }
0x4a: {  	_ =	shalt  }
0x4b: {  	_ =	shalt  }
0x4c: {  	_ =	shalt  }
0x4d: {  	_ =	shalt  }
0x4e: {  	_ =	shalt  }
0x4f: {  	_ =	shalt  }
0x50: {  	_ =	shalt  }
0x51: {  	_ =	shalt  }
0x52: {  	_ =	shalt  }
0x53: {  	_ =	shalt  }
0x54: {  	_ =	shalt  }
0x55: {  	_ =	shalt  }
0x56: {  	_ =	shalt  }
0x57: {  	_ =	shalt  }
0x58: {  	_ =	shalt  }
0x59: {  	_ =	shalt  }
0x5a: {  	_ =	shalt  }
0x5b: {  	_ =	shalt  }
0x5c: {  	_ =	shalt  }
0x5d: {  	_ =	shalt  }
0x5e: {  	_ =	shalt  }
0x5f: {  	_ =	shalt  }
0x60: {  	_ =	shalt  }
0x61: {  	_ =	shalt  }
0x62: {  	_ =	shalt  }
0x63: {  	_ =	shalt  }
0x64: {  	_ =	shalt  }
0x65: {  	_ =	shalt  }
0x66: {  	_ =	shalt  }
0x67: {  	_ =	shalt  }
0x68: {  	_ =	shalt  }
0x69: {  	_ =	shalt  }
0x6a: {  	_ =	shalt  }
0x6b: {  	_ =	shalt  }
0x6c: {  	_ =	shalt  }
0x6d: {  	_ =	shalt  }
0x6e: {  	_ =	shalt  }
0x6f: {  	_ =	shalt  }
0x70: {  	_ =	shalt  }
0x71: {  	_ =	shalt  }
0x72: {  	_ =	shalt  }
0x73: {  	_ =	shalt  }
0x74: {  	_ =	shalt  }
0x75: {  	_ =	shalt  }
0x76: {  	_ =	shalt  }
0x77: {  	_ =	shalt  }
0x78: {  	_ =	shalt  }
0x79: {  	_ =	shalt  }
0x7a: {  	_ =	shalt  }
0x7b: {  	_ =	shalt  }
0x7c: {  	_ =	shalt  }
0x7d: {  	_ =	shalt  }
0x7e: {  	_ =	shalt  }
0x7f: {  	_ =	shalt  }
0x80: {  	_ =	shalt  }
0x81: {  	_ =	shalt  }
0x82: {  	_ =	shalt  }
0x83: {  	_ =	shalt  }
0x84: {  	_ =	shalt  }
0x85: {  	_ =	shalt  }
0x86: {  	_ =	shalt  }
0x87: {  	_ =	shalt  }
.Lfunc_end0:
.L_simem_size_0:
called_computation_lowered:
.L_overlay_start_0:
0x88: {  	s2 =	sld [smem:$0x3FD9]  }
0x89: {  	s3 =	sld [smem:$0x3FFE];
	_ =	sdelay $0x1  }
0x8a: {  	s1 =	srdreg.scid  }
0x8b: {  	s0 =	sand.u32 $0x1, s1  }
0x8c: {  	s17 =	sshll.u32 s0, $0xA;
	s2 =	sadd.s32 s3, s2  }
0x8d: {  	s2 =	sadd.s32 s2, s17  }
0x8e: {  	[smem:$0x3FC6] =	sst s2  }
0x8f: {  	_ = 	snop  }
0x90: {  	s2 =	sld [smem:$0x3FC9]  }
0x91: {  	s18 =	sld [smem:$0x3FC8];
	(tm) =	ssettm $0x1  }
0x92: {  	s4 =	sld [smem:$0x3FFB];
	_ =	sdelay $0x3  }
0x93: {  	_ =	strace s4  }
0x94: {  	s4 =	sld [smem:$0x3FFC];
	_ =	sdelay $0x3  }
0x95: {  	_ =	strace s4  }
0x96: {  	s4 =	sld [smem:$0x3FFD];
	_ =	sdelay $0x3  }
0x97: {  	_ =	strace s4  }
0x98: {  	_ =	strace $0x8FFFFFFF  }
0x99: {  	s19 =	sld [smem:$0x3FDB];
	_ =	sdelay $0x1  }
0x9a: {  	s5 =	simm.s32 $_scs_section_size  }
0x9b: {  	s6 =	simm.s32 $_size__tile_overlayer_lowered;
	s7 =	simm.s32 $_tile_overlayer_lowered  }
0x9c: {  	s22 =	simm.s32 $0x1BFF;
	s21 =	sshll.u32 s7, $0x1;
	s4 =	sadd.s32 s5, s19  }
0x9d: {  	s8 =	simm.s32 $0x0;
	s20 =	sshll.u32 s6, $0x1;
	s6 =	sadd.s32 s21, s4  }
0x9e: {  	[timem:s8], [sflag:s22] =	dma.local [hbm:s6], s20  }
0x9f: {  	_ =	swait.ge [sflag:s22], s20  }
0xa0: {  	s5 =	ssub.s32 $0x0, s20;
	[sflag:s22] =	ssyncset.done $0x0  }
0xa1: {  	[sflag:s22] =	ssyncadd.s32 s5;
	_ =	sdelay $0x1  }
0xa2: {  	s23 =	simm.s32 $0x1B8B  }
0xa3: {  	_ =	swait.ge [sflag:s23], $0x1  }
0xa4: {  	[sflag:s23] =	ssyncset.done $0x0  }
0xa5: {  	s25 =	simm.s32 $0x1B8E;
	s24 =	sld [smem:$0x3FFE];
	[sflag:s23] =	ssyncadd.s32 $0xFFFFFFFF  }
0xa6: {  	s26 =	simm.s32 $execute0_lowered;
	[smem:$0x3FD2] =	sst s25  }
0xa7: {  	s6 =	sshll.u32 s26, $0x1;
	_ =	strace $0x80000046;
	[dreg:$0x1] =	wrdreg $0xFFFFFFFF  }
0xa8: {  	s28 =	simm.s32 $_size_execute0_lowered;
	s4 =	sadd.s32 s4, s6;
	[dreg:$0x0] =	wrdreg $0x0  }
0xa9: {  	s6 =	sshll.u32 s28, $0x1;
	[dreg:$0x2] =	wrdreg s4  }
0xaa: {  	[dreg:$0x3] =	wrdreg s6  }
0xab: {  	[dreg:$0x4] =	wrdreg $0xC0  }
0xac: {  	_ =	task [dreg:s8], $0x5FFFF  }
0xad: {  	[dreg:$0x1] =	wrdreg $0xFFFFFFFF  }
0xae: {  	[dreg:$0x0] =	wrdreg $0x60  }
0xaf: {  	[dreg:$0x2] =	wrdreg s2  }
0xb0: {  	[dreg:$0x3] =	wrdreg s18  }
0xb1: {  	[dreg:$0x4] =	wrdreg s24  }
0xb2: {  	[dreg:$0x5] =	wrdreg $0x9  }
0xb3: {  	_ =	task.clear_ibuf [dreg:s8], $0x6FFFF;
	_ =	strace $0x90000046  }
0xb4: {  	s29 =	simm.s32 $0x9;
	_ =	strace $0x80000048  }
0xb5: {  	_ =	swait.ge [sflag:s29], $0x1  }
0xb6: {  	[sflag:s29] =	ssyncadd.s32 $0xFFFFFFFF  }
0xb7: {  	_ =	strace $0x90000048  }
0xb8: {  	_ =	sfence  }
0xb9: {  	s30 =	sld [smem:$0x0];
	_ =	sdelay $0x2  }
0xba: {  	s31 =	sshll.u32 s1, $0xD;
	s1 =	sshrl.u32 s1, $0x2  }
0xbb: {  	s3 =	sand.u32 $0x4000, s31;
	s1 =	sadd.s32 s1, s30  }
0xbc: {  	s0 =	sor.u32 s3, s0;
	s1 =	sshll.u32 s1, $0x11  }
0xbd: {  	s0 =	sor.u32 s1, s0  }
0xbe: {  	s0 =	sadd.s32 $0x8F2B, s0  }
0xbf: {  	[sflag:s0] =	ssyncadd.remote.s32 $0x1  }
0xc0: {  	_ =	sfence.sel $0xFFFF  }
0xc1: {  	[dreg:$0x0] =	wrdreg $0xFFFFFFFF;
	(pc) =	sbr.abs _section_cstart, $3  }
0xc2: {  	[dreg:$0x1] =	wrdreg $0xFFFFFFFF  }
0xc3: {  	_ =	task.clear_ibuf [dreg:s8], $0x2FFFF;
	_ =	strace $0x9FFFFFFF  }
0xc4: {  	(tm) =	ssettm $0x7FFFFFFF  }
0xc5: {  	_ =	shalt  }
tec
execute0_lowered:
.L_overlay_start_1:
0x0: {  	(tag) =	ssettag $0x1  }
0x1: {  	s0 =	srdreg.scid;
	s3 =	rddreg [dreg:$0x0]  }
0x2: {  	s5 =	rddreg [dreg:$0x1];
	s4 =	sand.u32 $0x1, s0  }
0x3: {  	s6 =	rddreg [dreg:$0x2];
	s0 =	stileid.u32;
	s1 =	sshll.u32 s4, $0x4  }
0x4: {  	s2 =	simm.s32 $0x0;
	s9 =	simm.s32 $0x4E20;
	s7 =	sor.u32 s0, s1  }
0x5: {  	[smem:$0x7FF] =	sst s2;
	s4 =	ssub.s32 $0x2, s4;
	s7 =	smul.u32 $0x4E2, s7  }
0x6: {  	s10 =	simm.s32 $0x0;
	s1 =	rddreg [dreg:$0x3];
	s8 =	sshrl.u32 s4, $0x1  }
0x7: {  	_ =	strace $0x80000047;
	s8 =	ssub.s32 s4, s8;
	s6 =	sadd.s32 s7, s6  }
0x8: {  	s3 =	sadd.s32 s3, s7;
	s4 =	sadd.s32 s5, s7;
	s7 =	simm.s32 $0x1  }
0x9: {  	v0 =	vimm.f32 $0.0e+00;
	s5 =	sadd.s32 $0x400, s6;
	s6 =	smax.u32 s8, $0x1;
	s8 =	simm.s32 $0x2710  }
.LBB2_1:
0xa: {  	[tilespmem:s2], [sflag:$0x1] =	stream.linear.gather [hbm4b:s3+s2], $0x2710, $0x38;
	[tilespmem:$0x7530] =	vst v63  }
0xb: {  	_ =	swait.ge [sflag:s7], $0x2710  }
0xc: {  	[sflag:s7] =	ssyncset.done $0x0  }
0xd: {  	[sflag:s7] =	ssyncadd.s32 $0xFFFFD8F0  }
0xe: {  	[tilespmem:s8], [sflag:$0x1] =	stream.linear.gather [hbm4b:s4+s2], $0x2710, $0x38;
	[tilespmem:$0x7530] =	vst v63  }
0xf: {  	_ =	swait.ge [sflag:s7], $0x2710  }
0x10: {  	[sflag:s7] =	ssyncset.done $0x0  }
0x11: {  	s11 =	simm.s32 $0x0;
	[sflag:s7] =	ssyncadd.s32 $0xFFFFD8F0  }
.LBB2_2:
0x12: {  	p0 =	sne.s32 s11, $0x9C00  }
.Ltmp0:
0x13: {  	_ = 	snop;
	(pc) =	sbr.rel @p0 .LBB2_2-.Ltmp0, $3  }
0x14: {  	_ =	sdelay $0x1  }
0x15: {  	s12 =	sshra.s32 s11, $0x2  }
0x16: {  	s11 =	sadd.s32 $0x40, s11;
	[tilespmem:s12+$0x4E20] =	vst v0  }
0x17: {  	s12 =	simm.s32 $0x0;
	s11 =	simm.s32 $0x40  }
.LBB2_4:
0x18: {  	p0 =	sne.s32 s11, $0x9C00;
	v1 =	vld [tilespmem:s12+$0x0];
	_ =	sdelay $0x2  }
0x19: {  	v2 =	vld [tilespmem:s12+$0x2710]  }
.Ltmp1:
0x1a: {  	(pc) =	sbr.rel @p0 .LBB2_4-.Ltmp1, $2  }
0x1b: {  	_ =	sdelay $0x2  }
0x1c: {  	s12 =	sshra.s32 s11, $0x2;
	s11 =	sadd.s32 $0x40, s11;
	[tilespmem:v1+s9+$0x0] =	vst.idx.add.f32.msk $0xffff, v2  }
0x1d: {  	v1 =	vld [tilespmem:s12+$0x0];
	_ =	sdelay $0x2  }
0x1e: {  	v2 =	vld [tilespmem:s12+$0x2710];
	_ =	sdelay $0x2  }
0x1f: {  	s10 =	sadd.s32 $0x1, s10  }
0x20: {  	p0 =	sne.s32 s10, s6  }
.Ltmp2:
0x21: {  	[tilespmem:v1+s9+$0x0] =	vst.idx.add.f32.msk $0xffff, v2;
	(pc) =	sbr.rel @p0 .LBB2_1-.Ltmp2, $4  }
0x22: {  	[hbm4b:s5+s2] =	stream.linear.scatter [tilespmem:s9], [sflag:$0x1], $0x2710, $0x38;
	[tilespmem:$0x7530] =	vst v63  }
0x23: {  	_ =	swait.ge [sflag:s7], $0x2710  }
0x24: {  	[sflag:s7] =	ssyncset.done $0x0  }
0x25: {  	[sflag:s7] =	ssyncadd.s32 $0xFFFFD8F0  }
0x26: {  	_ =	sfence.sel $0x180000  }
0x27: {  	[bflag:$0x0] =	sbarrier.arrive $0xFFFF  }
0x28: {  	p0 =	sne.s32 s0, $0x0;
	_ =	strace $0x90000047  }
0x29: {  	s0 =	sadd.s32 @!p0 $0x100000, s1;
	[bflag:$0x2] =	sbarrier.arrive $0xFFFF  }
0x2a: {  	[sflag:s0] =	ssyncadd.tile.s32 @!p0 $0x1;
	_ =	shalt  }
.Lfunc_end2:
_tile_overlayer_lowered:
.L_overlay_start_2:
0x2b: {  	(tag) =	ssettag $0x2  }
0x2c: {  	s0 =	rddreg [dreg:$0x0];
	s2 =	stileid.u32  }
0x2d: {  	s1 =	rddreg [dreg:$0x1];
	p0 =	sne.s32 s2, $0x0  }
0x2e: {  	s3 =	rddreg [dreg:$0x2];
	[bflag:$0x3] =	sbarrier.arrive $0xFFFF;
	s2 =	simm.s32 @!p0 $0x1C01  }
0x2f: {  	[timem:s3], [sflag:s2] =	dma.local @!p0 [hbm:s0], s1  }
0x30: {  	s0 =	simm.s32 @!p0 $0x1  }
0x31: {  	_ =	swait.ge @!p0 [sflag:s0], s1  }
0x32: {  	s1 =	ssub.s32 @!p0 $0x0, s1;
	[sflag:s0] =	ssyncset.done @!p0 $0x0  }
0x33: {  	[sflag:s0] =	ssyncadd.s32 @!p0 s1  }
0x34: {  	[bflag:$0x3] =	sbarrier.arrive $0xFFFF  }
0x35: {  	_ =	shalt  }

</sc_bundles>
